<compile_context>
chip_gen: v7x
topology: tpu7x:2x2x1
jax: 0.10.2.dev20260603
libtpu: 0.0.44.dev20260713+nightly
codegen_flags: <defaults>
</compile_context>

<pallas_src>
import functools

import jax
import jax.numpy as jnp
from jax import lax
from jax.experimental import pallas as pl
from jax.experimental.pallas import tpu as pltpu
from jax.experimental.pallas import tpu_sc as plsc

N_DAYS = 2048
N_BUCKETS = 128
BATCH = 16384
MVOC_LO = 0.0
MVOC_HI = 1.0
MVOC_MEAN = 0.45

_NUM_CORES = 2
_NUM_SUBCORES = 16
_NW = _NUM_CORES * _NUM_SUBCORES
_BPW = BATCH // _NW
_L = 16


def _sc_body(mvoc_hbm, day_hbm, bkt_hbm, shift_hbm, tilt_hbm, out_hbm,
             iv, fv, sems):
    wid = lax.axis_index("s") * _NUM_CORES + lax.axis_index("c")
    base = wid * _BPW

    idx_v = iv.at[pl.ds(0, _BPW)]
    bkt_v = iv.at[pl.ds(_BPW, _BPW)]
    mv_v = fv.at[pl.ds(0, _BPW)]
    s_v = fv.at[pl.ds(_BPW, _BPW)]
    t_v = fv.at[pl.ds(2 * _BPW, _BPW)]
    out_v = fv.at[pl.ds(3 * _BPW, _BPW)]

    cp_d = pltpu.async_copy(day_hbm.at[pl.ds(base, _BPW)], idx_v, sems.at[2])
    cp_b = pltpu.async_copy(bkt_hbm.at[pl.ds(base, _BPW)], bkt_v, sems.at[2])
    cp_m = pltpu.async_copy(mvoc_hbm.at[pl.ds(base, _BPW)], mv_v, sems.at[3])
    cp_d.wait()
    cp_b.wait()

    def _idx_step(i, _):
        off = i * _L
        idx_v[pl.ds(off, _L)] = (
            idx_v[pl.ds(off, _L)] * N_BUCKETS + bkt_v[pl.ds(off, _L)])
        return _

    lax.fori_loop(0, _BPW // _L, _idx_step, 0, unroll=4)

    cp_s = pltpu.async_copy(shift_hbm.at[idx_v], s_v, sems.at[0])
    cp_t = pltpu.async_copy(tilt_hbm.at[idx_v], t_v, sems.at[1])

    span = max(MVOC_HI - MVOC_LO, 1e-12)
    z_bar = jnp.float32((MVOC_MEAN - MVOC_LO) / span)
    inv_span = jnp.float32(1.0 / span)
    lo = jnp.float32(MVOC_LO)

    cp_m.wait()
    cp_s.wait()
    cp_t.wait()

    def _out_step(i, _):
        off = i * _L
        z = jnp.clip((mv_v[pl.ds(off, _L)] - lo) * inv_span, 0.0, 1.0)
        out_v[pl.ds(off, _L)] = (
            s_v[pl.ds(off, _L)] + t_v[pl.ds(off, _L)] * (z_bar - z))
        return _

    lax.fori_loop(0, _BPW // _L, _out_step, 0, unroll=4)

    pltpu.sync_copy(out_v, out_hbm.at[pl.ds(base, _BPW)])


@functools.partial(jax.jit, static_argnames=())
def _run(mvoc, day_idx, bucket_idx, shift_flat, tilt_flat):
    mesh = plsc.VectorSubcoreMesh(core_axis_name="c", subcore_axis_name="s")
    return pl.kernel(
        _sc_body,
        out_type=jax.ShapeDtypeStruct((BATCH,), jnp.float32),
        mesh=mesh,
        scratch_types=[
            pltpu.VMEM((2 * _BPW,), jnp.int32),
            pltpu.VMEM((4 * _BPW,), jnp.float32),
            pltpu.SemaphoreType.DMA((4,)),
        ],
    )(mvoc, day_idx, bucket_idx, shift_flat, tilt_flat)


def kernel(mvoc, day_idx, bucket_idx, shift, tilt):
    out = _run(
        mvoc.reshape(-1),
        day_idx.reshape(-1),
        bucket_idx.reshape(-1),
        shift.reshape(-1),
        tilt.reshape(-1),
    )
    return out.reshape(-1, 1)

# --- scband reference (transcript-rebuilt; emitter-appended) ---
"""Pipeline reference for scband-shift-tilt-delta-18133351923781 (READ-ONLY COPY).

The authoritative reference and input builder live on the scoring server;
editing this copy changes nothing except your own understanding.
"""

import jax, jax.numpy as jnp
import numpy as np

N_DAYS = 2048
N_BUCKETS = 128
BATCH = 16384
MVOC_LO = 0.0
MVOC_HI = 1.0
MVOC_MEAN = 0.45


def setup_inputs(seed: int = 0) -> dict:
    key = jax.random.key(seed)
    k1, k2, k3, k4, k5 = jax.random.split(key, 5)
    mvoc = jax.random.uniform(k1, (BATCH,), dtype=jnp.float32)
    day_idx = jax.random.randint(k2, (BATCH,), 0, N_DAYS, dtype=jnp.int32)
    bucket_idx = jax.random.randint(k3, (BATCH,), 0, N_BUCKETS, dtype=jnp.int32)
    # learned parameters (torch inits to zeros; use small random so output is nontrivial)
    shift = jax.random.normal(k4, (N_DAYS, N_BUCKETS), dtype=jnp.float32) * 0.02
    tilt = jax.random.normal(k5, (N_DAYS, N_BUCKETS), dtype=jnp.float32) * 0.02
    return {"mvoc": mvoc, "day_idx": day_idx, "bucket_idx": bucket_idx, "shift": shift, "tilt": tilt}


def reference(mvoc, day_idx, bucket_idx, shift, tilt):
    d = day_idx.reshape(-1)
    b = bucket_idx.reshape(-1)
    mvoc_col = mvoc.reshape(-1, 1) if mvoc.ndim == 1 else mvoc
    span = jnp.maximum(jnp.float32(MVOC_HI - MVOC_LO), 1e-12)
    z_bar = jnp.float32((MVOC_MEAN - MVOC_LO)) / span
    z = jnp.clip((mvoc_col - MVOC_LO) / span, 0.0, 1.0)
    s = shift[d, b].reshape(-1, 1)
    t = tilt[d, b].reshape(-1, 1)
    return s + t * (z_bar - z)

if __name__ == "__main__":
    import jax
    _d = setup_inputs()
    print(jax.jit(kernel)(*tuple(_d.values())))

</pallas_src>

<mosaic_0001>
#map = affine_map<(d0, d1) -> (0)>
module attributes {stable_mosaic.version = 14 : i64} {
  func.func @_sc_body(%arg0: i32, %arg1: i32, %arg2: memref<16384xf32, #tpu.memory_space<hbm>>, %arg3: memref<16384xi32, #tpu.memory_space<hbm>>, %arg4: memref<16384xi32, #tpu.memory_space<hbm>>, %arg5: memref<262144xf32, #tpu.memory_space<hbm>>, %arg6: memref<262144xf32, #tpu.memory_space<hbm>>, %arg7: memref<16384xf32, #tpu.memory_space<hbm>>, %arg8: memref<1024xi32, #tpu.memory_space<vmem>>, %arg9: memref<2048xf32, #tpu.memory_space<vmem>>, %arg10: memref<4x!tpu.dma_semaphore, #tpu.memory_space<semaphore_mem>>) attributes {dimension_semantics = [#tpu.dimension_semantics<core_parallel>, #tpu.dimension_semantics<subcore_parallel>], iteration_bounds = array<i64: 2, 16>, scalar_prefetch = 0 : i64, scratch_operands = 3 : i64, tpu.core_type = #tpu.core_type<sc_vector_subcore>, window_params = [{transform_indices = #map}, {transform_indices = #map}, {transform_indices = #map}, {transform_indices = #map}, {transform_indices = #map}, {transform_indices = #map}]} {
    %mul3A = arith.constant 2 : i32
    %mul3A_0 = arith.muli %arg1, %mul3A : i32
    %add3A = arith.addi %mul3A_0, %arg0 : i32
    %mul3A_1 = arith.constant 512 : i32
    %mul3A_2 = arith.muli %add3A, %mul3A_1 : i32
    %dma_start3A = arith.constant 2 : i32
    %dma_start3A_3 = arith.constant 0 : i32
    %dma_start3A_4 = tpu.memref_slice %arg8[%dma_start3A_3] : memref<1024xi32, #tpu.memory_space<vmem>> -> memref<512xi32, #tpu.memory_space<vmem>>
    %dma_start3A_5 = tpu.memref_slice %arg3[%mul3A_2] : memref<16384xi32, #tpu.memory_space<hbm>> -> memref<512xi32, #tpu.memory_space<hbm>>
    %dma_start3A_6 = tpu.memref_slice %arg10[%dma_start3A] : memref<4x!tpu.dma_semaphore, #tpu.memory_space<semaphore_mem>> -> memref<1x!tpu.dma_semaphore, #tpu.memory_space<semaphore_mem>>
    %dma_start3A_7 = tpu.memref_squeeze %dma_start3A_6 : memref<1x!tpu.dma_semaphore, #tpu.memory_space<semaphore_mem>> -> memref<!tpu.dma_semaphore, #tpu.memory_space<semaphore_mem>>
    %dma_start3A_8 = arith.constant 0 : i32
    %dma_start3A_9 = tpu.memref_slice %arg8[%dma_start3A_8] : memref<1024xi32, #tpu.memory_space<vmem>> -> memref<512xi32, #tpu.memory_space<vmem>>
    %dma_start3A_10 = tpu.memref_slice %arg3[%mul3A_2] : memref<16384xi32, #tpu.memory_space<hbm>> -> memref<512xi32, #tpu.memory_space<hbm>>
    tpu.enqueue_dma source(%dma_start3A_10 : memref<512xi32, #tpu.memory_space<hbm>>) target(%dma_start3A_9 : memref<512xi32, #tpu.memory_space<vmem>>) target_semaphore(%dma_start3A_7 : memref<!tpu.dma_semaphore, #tpu.memory_space<semaphore_mem>>)
    %dma_start3A_11 = arith.constant 2 : i32
    %dma_start3A_12 = arith.constant 512 : i32
    %dma_start3A_13 = tpu.memref_slice %arg8[%dma_start3A_12] : memref<1024xi32, #tpu.memory_space<vmem>> -> memref<512xi32, #tpu.memory_space<vmem>>
    %dma_start3A_14 = tpu.memref_slice %arg4[%mul3A_2] : memref<16384xi32, #tpu.memory_space<hbm>> -> memref<512xi32, #tpu.memory_space<hbm>>
    %dma_start3A_15 = tpu.memref_slice %arg10[%dma_start3A_11] : memref<4x!tpu.dma_semaphore, #tpu.memory_space<semaphore_mem>> -> memref<1x!tpu.dma_semaphore, #tpu.memory_space<semaphore_mem>>
    %dma_start3A_16 = tpu.memref_squeeze %dma_start3A_15 : memref<1x!tpu.dma_semaphore, #tpu.memory_space<semaphore_mem>> -> memref<!tpu.dma_semaphore, #tpu.memory_space<semaphore_mem>>
    %dma_start3A_17 = arith.constant 512 : i32
    %dma_start3A_18 = tpu.memref_slice %arg8[%dma_start3A_17] : memref<1024xi32, #tpu.memory_space<vmem>> -> memref<512xi32, #tpu.memory_space<vmem>>
    %dma_start3A_19 = tpu.memref_slice %arg4[%mul3A_2] : memref<16384xi32, #tpu.memory_space<hbm>> -> memref<512xi32, #tpu.memory_space<hbm>>
    tpu.enqueue_dma source(%dma_start3A_19 : memref<512xi32, #tpu.memory_space<hbm>>) target(%dma_start3A_18 : memref<512xi32, #tpu.memory_space<vmem>>) target_semaphore(%dma_start3A_16 : memref<!tpu.dma_semaphore, #tpu.memory_space<semaphore_mem>>)
    %dma_start3A_20 = arith.constant 3 : i32
    %dma_start3A_21 = arith.constant 0 : i32
    %dma_start3A_22 = tpu.memref_slice %arg9[%dma_start3A_21] : memref<2048xf32, #tpu.memory_space<vmem>> -> memref<512xf32, #tpu.memory_space<vmem>>
    %dma_start3A_23 = tpu.memref_slice %arg2[%mul3A_2] : memref<16384xf32, #tpu.memory_space<hbm>> -> memref<512xf32, #tpu.memory_space<hbm>>
    %dma_start3A_24 = tpu.memref_slice %arg10[%dma_start3A_20] : memref<4x!tpu.dma_semaphore, #tpu.memory_space<semaphore_mem>> -> memref<1x!tpu.dma_semaphore, #tpu.memory_space<semaphore_mem>>
    %dma_start3A_25 = tpu.memref_squeeze %dma_start3A_24 : memref<1x!tpu.dma_semaphore, #tpu.memory_space<semaphore_mem>> -> memref<!tpu.dma_semaphore, #tpu.memory_space<semaphore_mem>>
    %dma_start3A_26 = arith.constant 0 : i32
    %dma_start3A_27 = tpu.memref_slice %arg9[%dma_start3A_26] : memref<2048xf32, #tpu.memory_space<vmem>> -> memref<512xf32, #tpu.memory_space<vmem>>
    %dma_start3A_28 = tpu.memref_slice %arg2[%mul3A_2] : memref<16384xf32, #tpu.memory_space<hbm>> -> memref<512xf32, #tpu.memory_space<hbm>>
    tpu.enqueue_dma source(%dma_start3A_28 : memref<512xf32, #tpu.memory_space<hbm>>) target(%dma_start3A_27 : memref<512xf32, #tpu.memory_space<vmem>>) target_semaphore(%dma_start3A_25 : memref<!tpu.dma_semaphore, #tpu.memory_space<semaphore_mem>>)
    %dma_wait3A = arith.constant 2 : i32
    %dma_wait3A_29 = arith.constant 0 : i32
    %dma_wait3A_30 = tpu.memref_slice %arg8[%dma_wait3A_29] : memref<1024xi32, #tpu.memory_space<vmem>> -> memref<512xi32, #tpu.memory_space<vmem>>
    %dma_wait3A_31 = tpu.memref_slice %arg3[%mul3A_2] : memref<16384xi32, #tpu.memory_space<hbm>> -> memref<512xi32, #tpu.memory_space<hbm>>
    %dma_wait3A_32 = tpu.memref_slice %arg10[%dma_wait3A] : memref<4x!tpu.dma_semaphore, #tpu.memory_space<semaphore_mem>> -> memref<1x!tpu.dma_semaphore, #tpu.memory_space<semaphore_mem>>
    %dma_wait3A_33 = tpu.memref_squeeze %dma_wait3A_32 : memref<1x!tpu.dma_semaphore, #tpu.memory_space<semaphore_mem>> -> memref<!tpu.dma_semaphore, #tpu.memory_space<semaphore_mem>>
    %dma_wait3A_34 = arith.constant 0 : i32
    %dma_wait3A_35 = tpu.memref_slice %arg8[%dma_wait3A_34] : memref<1024xi32, #tpu.memory_space<vmem>> -> memref<512xi32, #tpu.memory_space<vmem>>
    %dma_wait3A_36 = tpu.memref_slice %arg3[%mul3A_2] : memref<16384xi32, #tpu.memory_space<hbm>> -> memref<512xi32, #tpu.memory_space<hbm>>
    tpu.wait_dma2 semaphore(%dma_wait3A_33 : memref<!tpu.dma_semaphore, #tpu.memory_space<semaphore_mem>>) src(%dma_wait3A_36 : memref<512xi32, #tpu.memory_space<hbm>>) dst(%dma_wait3A_35 : memref<512xi32, #tpu.memory_space<vmem>>)
    %dma_wait3A_37 = arith.constant 2 : i32
    %dma_wait3A_38 = arith.constant 512 : i32
    %dma_wait3A_39 = tpu.memref_slice %arg8[%dma_wait3A_38] : memref<1024xi32, #tpu.memory_space<vmem>> -> memref<512xi32, #tpu.memory_space<vmem>>
    %dma_wait3A_40 = tpu.memref_slice %arg4[%mul3A_2] : memref<16384xi32, #tpu.memory_space<hbm>> -> memref<512xi32, #tpu.memory_space<hbm>>
    %dma_wait3A_41 = tpu.memref_slice %arg10[%dma_wait3A_37] : memref<4x!tpu.dma_semaphore, #tpu.memory_space<semaphore_mem>> -> memref<1x!tpu.dma_semaphore, #tpu.memory_space<semaphore_mem>>
    %dma_wait3A_42 = tpu.memref_squeeze %dma_wait3A_41 : memref<1x!tpu.dma_semaphore, #tpu.memory_space<semaphore_mem>> -> memref<!tpu.dma_semaphore, #tpu.memory_space<semaphore_mem>>
    %dma_wait3A_43 = arith.constant 512 : i32
    %dma_wait3A_44 = tpu.memref_slice %arg8[%dma_wait3A_43] : memref<1024xi32, #tpu.memory_space<vmem>> -> memref<512xi32, #tpu.memory_space<vmem>>
    %dma_wait3A_45 = tpu.memref_slice %arg4[%mul3A_2] : memref<16384xi32, #tpu.memory_space<hbm>> -> memref<512xi32, #tpu.memory_space<hbm>>
    tpu.wait_dma2 semaphore(%dma_wait3A_42 : memref<!tpu.dma_semaphore, #tpu.memory_space<semaphore_mem>>) src(%dma_wait3A_45 : memref<512xi32, #tpu.memory_space<hbm>>) dst(%dma_wait3A_44 : memref<512xi32, #tpu.memory_space<vmem>>)
    %scan3A = arith.constant 0 : i32
    %scan3A_46 = arith.constant 0 : i32
    %scan3A_47 = arith.constant 32 : i32
    %scan3A_48 = arith.addi %scan3A_46, %scan3A_47 : i32
    %scan3A_49 = arith.constant 4 : i32
    scf.for %scan3A_105 = %scan3A_46 to %scan3A_48 step %scan3A_49  : i32 {
      %mul3A_106 = arith.constant 16 : i32
      %mul3A_107 = arith.muli %scan3A_105, %mul3A_106 : i32
      %get3A = arith.constant 0 : i32
      %get3A_108 = tpu.memref_slice %arg8[%get3A] : memref<1024xi32, #tpu.memory_space<vmem>> -> memref<512xi32, #tpu.memory_space<vmem>>
      %get3A_109 = arith.index_cast %mul3A_107 : i32 to index
      %get3A_110 = tpu.vector_load %get3A_108[%get3A_109] {strides = array<i32>} : memref<512xi32, #tpu.memory_space<vmem>>, vector<16xi32>,
      %get3A_111 = vector.shape_cast %get3A_110 : vector<16xi32> to vector<16xi32>
      %mul3A_112 = arith.constant 128 : i32
      %mul3A_113 = vector.broadcast %mul3A_112 : i32 to vector<16xi32>
      %mul3A_114 = arith.muli %get3A_111, %mul3A_113 : vector<16xi32>
      %get3A_115 = arith.constant 512 : i32
      %get3A_116 = tpu.memref_slice %arg8[%get3A_115] : memref<1024xi32, #tpu.memory_space<vmem>> -> memref<512xi32, #tpu.memory_space<vmem>>
      %get3A_117 = arith.index_cast %mul3A_107 : i32 to index
      %get3A_118 = tpu.vector_load %get3A_116[%get3A_117] {strides = array<i32>} : memref<512xi32, #tpu.memory_space<vmem>>, vector<16xi32>,
      %get3A_119 = vector.shape_cast %get3A_118 : vector<16xi32> to vector<16xi32>
      %add3A_120 = arith.addi %mul3A_114, %get3A_119 : vector<16xi32>
      %swap3A = arith.constant 0 : i32
      %swap3A_121 = tpu.memref_slice %arg8[%swap3A] : memref<1024xi32, #tpu.memory_space<vmem>> -> memref<512xi32, #tpu.memory_space<vmem>>
      %swap3A_122 = arith.index_cast %mul3A_107 : i32 to index
      %swap3A_123 = tpu.vector_load %swap3A_121[%swap3A_122] {strides = array<i32>} : memref<512xi32, #tpu.memory_space<vmem>>, vector<16xi32>,
      %swap3A_124 = vector.shape_cast %swap3A_123 : vector<16xi32> to vector<16xi32>
      %swap3A_125 = vector.shape_cast %add3A_120 : vector<16xi32> to vector<16xi32>
      tpu.vector_store %swap3A_121[%swap3A_122], %swap3A_125 {strides = array<i32>} : memref<512xi32, #tpu.memory_space<vmem>>, vector<16xi32>,
      %scan3A_126 = arith.constant 1 : i32
      %scan3A_127 = arith.addi %scan3A_105, %scan3A_126 : i32
      %mul3A_128 = arith.constant 16 : i32
      %mul3A_129 = arith.muli %scan3A_127, %mul3A_128 : i32
      %get3A_130 = arith.constant 0 : i32
      %get3A_131 = tpu.memref_slice %arg8[%get3A_130] : memref<1024xi32, #tpu.memory_space<vmem>> -> memref<512xi32, #tpu.memory_space<vmem>>
      %get3A_132 = arith.index_cast %mul3A_129 : i32 to index
      %get3A_133 = tpu.vector_load %get3A_131[%get3A_132] {strides = array<i32>} : memref<512xi32, #tpu.memory_space<vmem>>, vector<16xi32>,
      %get3A_134 = vector.shape_cast %get3A_133 : vector<16xi32> to vector<16xi32>
      %mul3A_135 = arith.constant 128 : i32
      %mul3A_136 = vector.broadcast %mul3A_135 : i32 to vector<16xi32>
      %mul3A_137 = arith.muli %get3A_134, %mul3A_136 : vector<16xi32>
      %get3A_138 = arith.constant 512 : i32
      %get3A_139 = tpu.memref_slice %arg8[%get3A_138] : memref<1024xi32, #tpu.memory_space<vmem>> -> memref<512xi32, #tpu.memory_space<vmem>>
      %get3A_140 = arith.index_cast %mul3A_129 : i32 to index
      %get3A_141 = tpu.vector_load %get3A_139[%get3A_140] {strides = array<i32>} : memref<512xi32, #tpu.memory_space<vmem>>, vector<16xi32>,
      %get3A_142 = vector.shape_cast %get3A_141 : vector<16xi32> to vector<16xi32>
      %add3A_143 = arith.addi %mul3A_137, %get3A_142 : vector<16xi32>
      %swap3A_144 = arith.constant 0 : i32
      %swap3A_145 = tpu.memref_slice %arg8[%swap3A_144] : memref<1024xi32, #tpu.memory_space<vmem>> -> memref<512xi32, #tpu.memory_space<vmem>>
      %swap3A_146 = arith.index_cast %mul3A_129 : i32 to index
      %swap3A_147 = tpu.vector_load %swap3A_145[%swap3A_146] {strides = array<i32>} : memref<512xi32, #tpu.memory_space<vmem>>, vector<16xi32>,
      %swap3A_148 = vector.shape_cast %swap3A_147 : vector<16xi32> to vector<16xi32>
      %swap3A_149 = vector.shape_cast %add3A_143 : vector<16xi32> to vector<16xi32>
      tpu.vector_store %swap3A_145[%swap3A_146], %swap3A_149 {strides = array<i32>} : memref<512xi32, #tpu.memory_space<vmem>>, vector<16xi32>,
      %scan3A_150 = arith.constant 2 : i32
      %scan3A_151 = arith.addi %scan3A_105, %scan3A_150 : i32
      %mul3A_152 = arith.constant 16 : i32
      %mul3A_153 = arith.muli %scan3A_151, %mul3A_152 : i32
      %get3A_154 = arith.constant 0 : i32
      %get3A_155 = tpu.memref_slice %arg8[%get3A_154] : memref<1024xi32, #tpu.memory_space<vmem>> -> memref<512xi32, #tpu.memory_space<vmem>>
      %get3A_156 = arith.index_cast %mul3A_153 : i32 to index
      %get3A_157 = tpu.vector_load %get3A_155[%get3A_156] {strides = array<i32>} : memref<512xi32, #tpu.memory_space<vmem>>, vector<16xi32>,
      %get3A_158 = vector.shape_cast %get3A_157 : vector<16xi32> to vector<16xi32>
      %mul3A_159 = arith.constant 128 : i32
      %mul3A_160 = vector.broadcast %mul3A_159 : i32 to vector<16xi32>
      %mul3A_161 = arith.muli %get3A_158, %mul3A_160 : vector<16xi32>
      %get3A_162 = arith.constant 512 : i32
      %get3A_163 = tpu.memref_slice %arg8[%get3A_162] : memref<1024xi32, #tpu.memory_space<vmem>> -> memref<512xi32, #tpu.memory_space<vmem>>
      %get3A_164 = arith.index_cast %mul3A_153 : i32 to index
      %get3A_165 = tpu.vector_load %get3A_163[%get3A_164] {strides = array<i32>} : memref<512xi32, #tpu.memory_space<vmem>>, vector<16xi32>,
      %get3A_166 = vector.shape_cast %get3A_165 : vector<16xi32> to vector<16xi32>
      %add3A_167 = arith.addi %mul3A_161, %get3A_166 : vector<16xi32>
      %swap3A_168 = arith.constant 0 : i32
      %swap3A_169 = tpu.memref_slice %arg8[%swap3A_168] : memref<1024xi32, #tpu.memory_space<vmem>> -> memref<512xi32, #tpu.memory_space<vmem>>
      %swap3A_170 = arith.index_cast %mul3A_153 : i32 to index
      %swap3A_171 = tpu.vector_load %swap3A_169[%swap3A_170] {strides = array<i32>} : memref<512xi32, #tpu.memory_space<vmem>>, vector<16xi32>,
      %swap3A_172 = vector.shape_cast %swap3A_171 : vector<16xi32> to vector<16xi32>
      %swap3A_173 = vector.shape_cast %add3A_167 : vector<16xi32> to vector<16xi32>
      tpu.vector_store %swap3A_169[%swap3A_170], %swap3A_173 {strides = array<i32>} : memref<512xi32, #tpu.memory_space<vmem>>, vector<16xi32>,
      %scan3A_174 = arith.constant 3 : i32
      %scan3A_175 = arith.addi %scan3A_105, %scan3A_174 : i32
      %mul3A_176 = arith.constant 16 : i32
      %mul3A_177 = arith.muli %scan3A_175, %mul3A_176 : i32
      %get3A_178 = arith.constant 0 : i32
      %get3A_179 = tpu.memref_slice %arg8[%get3A_178] : memref<1024xi32, #tpu.memory_space<vmem>> -> memref<512xi32, #tpu.memory_space<vmem>>
      %get3A_180 = arith.index_cast %mul3A_177 : i32 to index
      %get3A_181 = tpu.vector_load %get3A_179[%get3A_180] {strides = array<i32>} : memref<512xi32, #tpu.memory_space<vmem>>, vector<16xi32>,
      %get3A_182 = vector.shape_cast %get3A_181 : vector<16xi32> to vector<16xi32>
      %mul3A_183 = arith.constant 128 : i32
      %mul3A_184 = vector.broadcast %mul3A_183 : i32 to vector<16xi32>
      %mul3A_185 = arith.muli %get3A_182, %mul3A_184 : vector<16xi32>
      %get3A_186 = arith.constant 512 : i32
      %get3A_187 = tpu.memref_slice %arg8[%get3A_186] : memref<1024xi32, #tpu.memory_space<vmem>> -> memref<512xi32, #tpu.memory_space<vmem>>
      %get3A_188 = arith.index_cast %mul3A_177 : i32 to index
      %get3A_189 = tpu.vector_load %get3A_187[%get3A_188] {strides = array<i32>} : memref<512xi32, #tpu.memory_space<vmem>>, vector<16xi32>,
      %get3A_190 = vector.shape_cast %get3A_189 : vector<16xi32> to vector<16xi32>
      %add3A_191 = arith.addi %mul3A_185, %get3A_190 : vector<16xi32>
      %swap3A_192 = arith.constant 0 : i32
      %swap3A_193 = tpu.memref_slice %arg8[%swap3A_192] : memref<1024xi32, #tpu.memory_space<vmem>> -> memref<512xi32, #tpu.memory_space<vmem>>
      %swap3A_194 = arith.index_cast %mul3A_177 : i32 to index
      %swap3A_195 = tpu.vector_load %swap3A_193[%swap3A_194] {strides = array<i32>} : memref<512xi32, #tpu.memory_space<vmem>>, vector<16xi32>,
      %swap3A_196 = vector.shape_cast %swap3A_195 : vector<16xi32> to vector<16xi32>
      %swap3A_197 = vector.shape_cast %add3A_191 : vector<16xi32> to vector<16xi32>
      tpu.vector_store %swap3A_193[%swap3A_194], %swap3A_197 {strides = array<i32>} : memref<512xi32, #tpu.memory_space<vmem>>, vector<16xi32>,
    }
    %scan3A_50 = arith.constant 32 : i32
    %dma_start3A_51 = arith.constant 0 : i32
    %dma_start3A_52 = arith.constant 512 : i32
    %dma_start3A_53 = tpu.memref_slice %arg9[%dma_start3A_52] : memref<2048xf32, #tpu.memory_space<vmem>> -> memref<512xf32, #tpu.memory_space<vmem>>
    %dma_start3A_54 = arith.constant 0 : i32
    %dma_start3A_55 = tpu.memref_slice %arg8[%dma_start3A_54] : memref<1024xi32, #tpu.memory_space<vmem>> -> memref<512xi32, #tpu.memory_space<vmem>>
    %dma_start3A_56 = arith.constant 0 : i32
    %dma_start3A_57 = tpu.memref_slice %arg5[%dma_start3A_56] : memref<262144xf32, #tpu.memory_space<hbm>> -> memref<262144xf32, #tpu.memory_space<hbm>>
    %dma_start3A_58 = tpu.memref_slice %arg10[%dma_start3A_51] : memref<4x!tpu.dma_semaphore, #tpu.memory_space<semaphore_mem>> -> memref<1x!tpu.dma_semaphore, #tpu.memory_space<semaphore_mem>>
    %dma_start3A_59 = tpu.memref_squeeze %dma_start3A_58 : memref<1x!tpu.dma_semaphore, #tpu.memory_space<semaphore_mem>> -> memref<!tpu.dma_semaphore, #tpu.memory_space<semaphore_mem>>
    tpu.enqueue_indirect_dma source(%dma_start3A_57 : memref<262144xf32, #tpu.memory_space<hbm>>) target(%dma_start3A_53 : memref<512xf32, #tpu.memory_space<vmem>>) offsets(%dma_start3A_55 : memref<512xi32, #tpu.memory_space<vmem>>) semaphore(%dma_start3A_59 : memref<!tpu.dma_semaphore, #tpu.memory_space<semaphore_mem>>)
    %dma_start3A_60 = arith.constant 1 : i32
    %dma_start3A_61 = arith.constant 1024 : i32
    %dma_start3A_62 = tpu.memref_slice %arg9[%dma_start3A_61] : memref<2048xf32, #tpu.memory_space<vmem>> -> memref<512xf32, #tpu.memory_space<vmem>>
    %dma_start3A_63 = arith.constant 0 : i32
    %dma_start3A_64 = tpu.memref_slice %arg8[%dma_start3A_63] : memref<1024xi32, #tpu.memory_space<vmem>> -> memref<512xi32, #tpu.memory_space<vmem>>
    %dma_start3A_65 = arith.constant 0 : i32
    %dma_start3A_66 = tpu.memref_slice %arg6[%dma_start3A_65] : memref<262144xf32, #tpu.memory_space<hbm>> -> memref<262144xf32, #tpu.memory_space<hbm>>
    %dma_start3A_67 = tpu.memref_slice %arg10[%dma_start3A_60] : memref<4x!tpu.dma_semaphore, #tpu.memory_space<semaphore_mem>> -> memref<1x!tpu.dma_semaphore, #tpu.memory_space<semaphore_mem>>
    %dma_start3A_68 = tpu.memref_squeeze %dma_start3A_67 : memref<1x!tpu.dma_semaphore, #tpu.memory_space<semaphore_mem>> -> memref<!tpu.dma_semaphore, #tpu.memory_space<semaphore_mem>>
    tpu.enqueue_indirect_dma source(%dma_start3A_66 : memref<262144xf32, #tpu.memory_space<hbm>>) target(%dma_start3A_62 : memref<512xf32, #tpu.memory_space<vmem>>) offsets(%dma_start3A_64 : memref<512xi32, #tpu.memory_space<vmem>>) semaphore(%dma_start3A_68 : memref<!tpu.dma_semaphore, #tpu.memory_space<semaphore_mem>>)
    %dma_wait3A_69 = arith.constant 3 : i32
    %dma_wait3A_70 = arith.constant 0 : i32
    %dma_wait3A_71 = tpu.memref_slice %arg9[%dma_wait3A_70] : memref<2048xf32, #tpu.memory_space<vmem>> -> memref<512xf32, #tpu.memory_space<vmem>>
    %dma_wait3A_72 = tpu.memref_slice %arg2[%mul3A_2] : memref<16384xf32, #tpu.memory_space<hbm>> -> memref<512xf32, #tpu.memory_space<hbm>>
    %dma_wait3A_73 = tpu.memref_slice %arg10[%dma_wait3A_69] : memref<4x!tpu.dma_semaphore, #tpu.memory_space<semaphore_mem>> -> memref<1x!tpu.dma_semaphore, #tpu.memory_space<semaphore_mem>>
    %dma_wait3A_74 = tpu.memref_squeeze %dma_wait3A_73 : memref<1x!tpu.dma_semaphore, #tpu.memory_space<semaphore_mem>> -> memref<!tpu.dma_semaphore, #tpu.memory_space<semaphore_mem>>
    %dma_wait3A_75 = arith.constant 0 : i32
    %dma_wait3A_76 = tpu.memref_slice %arg9[%dma_wait3A_75] : memref<2048xf32, #tpu.memory_space<vmem>> -> memref<512xf32, #tpu.memory_space<vmem>>
    %dma_wait3A_77 = tpu.memref_slice %arg2[%mul3A_2] : memref<16384xf32, #tpu.memory_space<hbm>> -> memref<512xf32, #tpu.memory_space<hbm>>
    tpu.wait_dma2 semaphore(%dma_wait3A_74 : memref<!tpu.dma_semaphore, #tpu.memory_space<semaphore_mem>>) src(%dma_wait3A_77 : memref<512xf32, #tpu.memory_space<hbm>>) dst(%dma_wait3A_76 : memref<512xf32, #tpu.memory_space<vmem>>)
    %dma_wait3A_78 = arith.constant 0 : i32
    %dma_wait3A_79 = arith.constant 512 : i32
    %dma_wait3A_80 = tpu.memref_slice %arg9[%dma_wait3A_79] : memref<2048xf32, #tpu.memory_space<vmem>> -> memref<512xf32, #tpu.memory_space<vmem>>
    %dma_wait3A_81 = arith.constant 0 : i32
    %dma_wait3A_82 = tpu.memref_slice %arg8[%dma_wait3A_81] : memref<1024xi32, #tpu.memory_space<vmem>> -> memref<512xi32, #tpu.memory_space<vmem>>
    %dma_wait3A_83 = arith.constant 0 : i32
    %dma_wait3A_84 = tpu.memref_slice %arg5[%dma_wait3A_83] : memref<262144xf32, #tpu.memory_space<hbm>> -> memref<262144xf32, #tpu.memory_space<hbm>>
    %dma_wait3A_85 = tpu.memref_slice %arg10[%dma_wait3A_78] : memref<4x!tpu.dma_semaphore, #tpu.memory_space<semaphore_mem>> -> memref<1x!tpu.dma_semaphore, #tpu.memory_space<semaphore_mem>>
    %dma_wait3A_86 = tpu.memref_squeeze %dma_wait3A_85 : memref<1x!tpu.dma_semaphore, #tpu.memory_space<semaphore_mem>> -> memref<!tpu.dma_semaphore, #tpu.memory_space<semaphore_mem>>
    tpu.wait_indirect_dma semaphore(%dma_wait3A_86 : memref<!tpu.dma_semaphore, #tpu.memory_space<semaphore_mem>>) src(%dma_wait3A_84 : memref<262144xf32, #tpu.memory_space<hbm>>) dst(%dma_wait3A_80 : memref<512xf32, #tpu.memory_space<vmem>>)
    %dma_wait3A_87 = arith.constant 1 : i32
    %dma_wait3A_88 = arith.constant 1024 : i32
    %dma_wait3A_89 = tpu.memref_slice %arg9[%dma_wait3A_88] : memref<2048xf32, #tpu.memory_space<vmem>> -> memref<512xf32, #tpu.memory_space<vmem>>
    %dma_wait3A_90 = arith.constant 0 : i32
    %dma_wait3A_91 = tpu.memref_slice %arg8[%dma_wait3A_90] : memref<1024xi32, #tpu.memory_space<vmem>> -> memref<512xi32, #tpu.memory_space<vmem>>
    %dma_wait3A_92 = arith.constant 0 : i32
    %dma_wait3A_93 = tpu.memref_slice %arg6[%dma_wait3A_92] : memref<262144xf32, #tpu.memory_space<hbm>> -> memref<262144xf32, #tpu.memory_space<hbm>>
    %dma_wait3A_94 = tpu.memref_slice %arg10[%dma_wait3A_87] : memref<4x!tpu.dma_semaphore, #tpu.memory_space<semaphore_mem>> -> memref<1x!tpu.dma_semaphore, #tpu.memory_space<semaphore_mem>>
    %dma_wait3A_95 = tpu.memref_squeeze %dma_wait3A_94 : memref<1x!tpu.dma_semaphore, #tpu.memory_space<semaphore_mem>> -> memref<!tpu.dma_semaphore, #tpu.memory_space<semaphore_mem>>
    tpu.wait_indirect_dma semaphore(%dma_wait3A_95 : memref<!tpu.dma_semaphore, #tpu.memory_space<semaphore_mem>>) src(%dma_wait3A_93 : memref<262144xf32, #tpu.memory_space<hbm>>) dst(%dma_wait3A_89 : memref<512xf32, #tpu.memory_space<vmem>>)
    %scan3A_96 = arith.constant 0 : i32
    %scan3A_97 = arith.constant 0.000000e+00 : f32
    %scan3A_98 = arith.constant 1.000000e+00 : f32
    %scan3A_99 = arith.constant 4.500000e-01 : f32
    %scan3A_100 = arith.constant 0 : i32
    %scan3A_101 = arith.constant 32 : i32
    %scan3A_102 = arith.addi %scan3A_100, %scan3A_101 : i32
    %scan3A_103 = arith.constant 4 : i32
    scf.for %scan3A_105 = %scan3A_100 to %scan3A_102 step %scan3A_103  : i32 {
      %mul3A_106 = arith.constant 16 : i32
      %mul3A_107 = arith.muli %scan3A_105, %mul3A_106 : i32
      %get3A = arith.constant 0 : i32
      %get3A_108 = tpu.memref_slice %arg9[%get3A] : memref<2048xf32, #tpu.memory_space<vmem>> -> memref<512xf32, #tpu.memory_space<vmem>>
      %get3A_109 = arith.index_cast %mul3A_107 : i32 to index
      %get3A_110 = tpu.vector_load %get3A_108[%get3A_109] {strides = array<i32>} : memref<512xf32, #tpu.memory_space<vmem>>, vector<16xf32>,
      %get3A_111 = vector.shape_cast %get3A_110 : vector<16xf32> to vector<16xf32>
      %sub3A = vector.broadcast %scan3A_97 : f32 to vector<16xf32>
      %sub3A_112 = arith.subf %get3A_111, %sub3A : vector<16xf32>
      %mul3A_113 = vector.broadcast %scan3A_98 : f32 to vector<16xf32>
      %mul3A_114 = arith.mulf %sub3A_112, %mul3A_113 : vector<16xf32>
      %jit3A = arith.constant 0.000000e+00 : f32
      %jit3A_115 = arith.constant 1.000000e+00 : f32
      %max3A = vector.broadcast %jit3A : f32 to vector<16xf32>
      %max3A_116 = arith.maximumf %max3A, %mul3A_114 : vector<16xf32>
      %min3A = vector.broadcast %jit3A_115 : f32 to vector<16xf32>
      %min3A_117 = arith.minimumf %min3A, %max3A_116 : vector<16xf32>
      %get3A_118 = arith.constant 512 : i32
      %get3A_119 = tpu.memref_slice %arg9[%get3A_118] : memref<2048xf32, #tpu.memory_space<vmem>> -> memref<512xf32, #tpu.memory_space<vmem>>
      %get3A_120 = arith.index_cast %mul3A_107 : i32 to index
      %get3A_121 = tpu.vector_load %get3A_119[%get3A_120] {strides = array<i32>} : memref<512xf32, #tpu.memory_space<vmem>>, vector<16xf32>,
      %get3A_122 = vector.shape_cast %get3A_121 : vector<16xf32> to vector<16xf32>
      %get3A_123 = arith.constant 1024 : i32
      %get3A_124 = tpu.memref_slice %arg9[%get3A_123] : memref<2048xf32, #tpu.memory_space<vmem>> -> memref<512xf32, #tpu.memory_space<vmem>>
      %get3A_125 = arith.index_cast %mul3A_107 : i32 to index
      %get3A_126 = tpu.vector_load %get3A_124[%get3A_125] {strides = array<i32>} : memref<512xf32, #tpu.memory_space<vmem>>, vector<16xf32>,
      %get3A_127 = vector.shape_cast %get3A_126 : vector<16xf32> to vector<16xf32>
      %sub3A_128 = vector.broadcast %scan3A_99 : f32 to vector<16xf32>
      %sub3A_129 = arith.subf %sub3A_128, %min3A_117 : vector<16xf32>
      %mul3A_130 = arith.mulf %get3A_127, %sub3A_129 : vector<16xf32>
      %add3A_131 = arith.addf %get3A_122, %mul3A_130 : vector<16xf32>
      %swap3A = arith.constant 1536 : i32
      %swap3A_132 = tpu.memref_slice %arg9[%swap3A] : memref<2048xf32, #tpu.memory_space<vmem>> -> memref<512xf32, #tpu.memory_space<vmem>>
      %swap3A_133 = arith.index_cast %mul3A_107 : i32 to index
      %swap3A_134 = tpu.vector_load %swap3A_132[%swap3A_133] {strides = array<i32>} : memref<512xf32, #tpu.memory_space<vmem>>, vector<16xf32>,
      %swap3A_135 = vector.shape_cast %swap3A_134 : vector<16xf32> to vector<16xf32>
      %swap3A_136 = vector.shape_cast %add3A_131 : vector<16xf32> to vector<16xf32>
      tpu.vector_store %swap3A_132[%swap3A_133], %swap3A_136 {strides = array<i32>} : memref<512xf32, #tpu.memory_space<vmem>>, vector<16xf32>,
      %scan3A_137 = arith.constant 1 : i32
      %scan3A_138 = arith.addi %scan3A_105, %scan3A_137 : i32
      %mul3A_139 = arith.constant 16 : i32
      %mul3A_140 = arith.muli %scan3A_138, %mul3A_139 : i32
      %get3A_141 = arith.constant 0 : i32
      %get3A_142 = tpu.memref_slice %arg9[%get3A_141] : memref<2048xf32, #tpu.memory_space<vmem>> -> memref<512xf32, #tpu.memory_space<vmem>>
      %get3A_143 = arith.index_cast %mul3A_140 : i32 to index
      %get3A_144 = tpu.vector_load %get3A_142[%get3A_143] {strides = array<i32>} : memref<512xf32, #tpu.memory_space<vmem>>, vector<16xf32>,
      %get3A_145 = vector.shape_cast %get3A_144 : vector<16xf32> to vector<16xf32>
      %sub3A_146 = vector.broadcast %scan3A_97 : f32 to vector<16xf32>
      %sub3A_147 = arith.subf %get3A_145, %sub3A_146 : vector<16xf32>
      %mul3A_148 = vector.broadcast %scan3A_98 : f32 to vector<16xf32>
      %mul3A_149 = arith.mulf %sub3A_147, %mul3A_148 : vector<16xf32>
      %jit3A_150 = arith.constant 0.000000e+00 : f32
      %jit3A_151 = arith.constant 1.000000e+00 : f32
      %max3A_152 = vector.broadcast %jit3A_150 : f32 to vector<16xf32>
      %max3A_153 = arith.maximumf %max3A_152, %mul3A_149 : vector<16xf32>
      %min3A_154 = vector.broadcast %jit3A_151 : f32 to vector<16xf32>
      %min3A_155 = arith.minimumf %min3A_154, %max3A_153 : vector<16xf32>
      %get3A_156 = arith.constant 512 : i32
      %get3A_157 = tpu.memref_slice %arg9[%get3A_156] : memref<2048xf32, #tpu.memory_space<vmem>> -> memref<512xf32, #tpu.memory_space<vmem>>
      %get3A_158 = arith.index_cast %mul3A_140 : i32 to index
      %get3A_159 = tpu.vector_load %get3A_157[%get3A_158] {strides = array<i32>} : memref<512xf32, #tpu.memory_space<vmem>>, vector<16xf32>,
      %get3A_160 = vector.shape_cast %get3A_159 : vector<16xf32> to vector<16xf32>
      %get3A_161 = arith.constant 1024 : i32
      %get3A_162 = tpu.memref_slice %arg9[%get3A_161] : memref<2048xf32, #tpu.memory_space<vmem>> -> memref<512xf32, #tpu.memory_space<vmem>>
      %get3A_163 = arith.index_cast %mul3A_140 : i32 to index
      %get3A_164 = tpu.vector_load %get3A_162[%get3A_163] {strides = array<i32>} : memref<512xf32, #tpu.memory_space<vmem>>, vector<16xf32>,
      %get3A_165 = vector.shape_cast %get3A_164 : vector<16xf32> to vector<16xf32>
      %sub3A_166 = vector.broadcast %scan3A_99 : f32 to vector<16xf32>
      %sub3A_167 = arith.subf %sub3A_166, %min3A_155 : vector<16xf32>
      %mul3A_168 = arith.mulf %get3A_165, %sub3A_167 : vector<16xf32>
      %add3A_169 = arith.addf %get3A_160, %mul3A_168 : vector<16xf32>
      %swap3A_170 = arith.constant 1536 : i32
      %swap3A_171 = tpu.memref_slice %arg9[%swap3A_170] : memref<2048xf32, #tpu.memory_space<vmem>> -> memref<512xf32, #tpu.memory_space<vmem>>
      %swap3A_172 = arith.index_cast %mul3A_140 : i32 to index
      %swap3A_173 = tpu.vector_load %swap3A_171[%swap3A_172] {strides = array<i32>} : memref<512xf32, #tpu.memory_space<vmem>>, vector<16xf32>,
      %swap3A_174 = vector.shape_cast %swap3A_173 : vector<16xf32> to vector<16xf32>
      %swap3A_175 = vector.shape_cast %add3A_169 : vector<16xf32> to vector<16xf32>
      tpu.vector_store %swap3A_171[%swap3A_172], %swap3A_175 {strides = array<i32>} : memref<512xf32, #tpu.memory_space<vmem>>, vector<16xf32>,
      %scan3A_176 = arith.constant 2 : i32
      %scan3A_177 = arith.addi %scan3A_105, %scan3A_176 : i32
      %mul3A_178 = arith.constant 16 : i32
      %mul3A_179 = arith.muli %scan3A_177, %mul3A_178 : i32
      %get3A_180 = arith.constant 0 : i32
      %get3A_181 = tpu.memref_slice %arg9[%get3A_180] : memref<2048xf32, #tpu.memory_space<vmem>> -> memref<512xf32, #tpu.memory_space<vmem>>
      %get3A_182 = arith.index_cast %mul3A_179 : i32 to index
      %get3A_183 = tpu.vector_load %get3A_181[%get3A_182] {strides = array<i32>} : memref<512xf32, #tpu.memory_space<vmem>>, vector<16xf32>,
      %get3A_184 = vector.shape_cast %get3A_183 : vector<16xf32> to vector<16xf32>
      %sub3A_185 = vector.broadcast %scan3A_97 : f32 to vector<16xf32>
      %sub3A_186 = arith.subf %get3A_184, %sub3A_185 : vector<16xf32>
      %mul3A_187 = vector.broadcast %scan3A_98 : f32 to vector<16xf32>
      %mul3A_188 = arith.mulf %sub3A_186, %mul3A_187 : vector<16xf32>
      %jit3A_189 = arith.constant 0.000000e+00 : f32
      %jit3A_190 = arith.constant 1.000000e+00 : f32
      %max3A_191 = vector.broadcast %jit3A_189 : f32 to vector<16xf32>
      %max3A_192 = arith.maximumf %max3A_191, %mul3A_188 : vector<16xf32>
      %min3A_193 = vector.broadcast %jit3A_190 : f32 to vector<16xf32>
      %min3A_194 = arith.minimumf %min3A_193, %max3A_192 : vector<16xf32>
      %get3A_195 = arith.constant 512 : i32
      %get3A_196 = tpu.memref_slice %arg9[%get3A_195] : memref<2048xf32, #tpu.memory_space<vmem>> -> memref<512xf32, #tpu.memory_space<vmem>>
      %get3A_197 = arith.index_cast %mul3A_179 : i32 to index
      %get3A_198 = tpu.vector_load %get3A_196[%get3A_197] {strides = array<i32>} : memref<512xf32, #tpu.memory_space<vmem>>, vector<16xf32>,
      %get3A_199 = vector.shape_cast %get3A_198 : vector<16xf32> to vector<16xf32>
      %get3A_200 = arith.constant 1024 : i32
      %get3A_201 = tpu.memref_slice %arg9[%get3A_200] : memref<2048xf32, #tpu.memory_space<vmem>> -> memref<512xf32, #tpu.memory_space<vmem>>
      %get3A_202 = arith.index_cast %mul3A_179 : i32 to index
      %get3A_203 = tpu.vector_load %get3A_201[%get3A_202] {strides = array<i32>} : memref<512xf32, #tpu.memory_space<vmem>>, vector<16xf32>,
      %get3A_204 = vector.shape_cast %get3A_203 : vector<16xf32> to vector<16xf32>
      %sub3A_205 = vector.broadcast %scan3A_99 : f32 to vector<16xf32>
      %sub3A_206 = arith.subf %sub3A_205, %min3A_194 : vector<16xf32>
      %mul3A_207 = arith.mulf %get3A_204, %sub3A_206 : vector<16xf32>
      %add3A_208 = arith.addf %get3A_199, %mul3A_207 : vector<16xf32>
      %swap3A_209 = arith.constant 1536 : i32
      %swap3A_210 = tpu.memref_slice %arg9[%swap3A_209] : memref<2048xf32, #tpu.memory_space<vmem>> -> memref<512xf32, #tpu.memory_space<vmem>>
      %swap3A_211 = arith.index_cast %mul3A_179 : i32 to index
      %swap3A_212 = tpu.vector_load %swap3A_210[%swap3A_211] {strides = array<i32>} : memref<512xf32, #tpu.memory_space<vmem>>, vector<16xf32>,
      %swap3A_213 = vector.shape_cast %swap3A_212 : vector<16xf32> to vector<16xf32>
      %swap3A_214 = vector.shape_cast %add3A_208 : vector<16xf32> to vector<16xf32>
      tpu.vector_store %swap3A_210[%swap3A_211], %swap3A_214 {strides = array<i32>} : memref<512xf32, #tpu.memory_space<vmem>>, vector<16xf32>,
      %scan3A_215 = arith.constant 3 : i32
      %scan3A_216 = arith.addi %scan3A_105, %scan3A_215 : i32
      %mul3A_217 = arith.constant 16 : i32
      %mul3A_218 = arith.muli %scan3A_216, %mul3A_217 : i32
      %get3A_219 = arith.constant 0 : i32
      %get3A_220 = tpu.memref_slice %arg9[%get3A_219] : memref<2048xf32, #tpu.memory_space<vmem>> -> memref<512xf32, #tpu.memory_space<vmem>>
      %get3A_221 = arith.index_cast %mul3A_218 : i32 to index
      %get3A_222 = tpu.vector_load %get3A_220[%get3A_221] {strides = array<i32>} : memref<512xf32, #tpu.memory_space<vmem>>, vector<16xf32>,
      %get3A_223 = vector.shape_cast %get3A_222 : vector<16xf32> to vector<16xf32>
      %sub3A_224 = vector.broadcast %scan3A_97 : f32 to vector<16xf32>
      %sub3A_225 = arith.subf %get3A_223, %sub3A_224 : vector<16xf32>
      %mul3A_226 = vector.broadcast %scan3A_98 : f32 to vector<16xf32>
      %mul3A_227 = arith.mulf %sub3A_225, %mul3A_226 : vector<16xf32>
      %jit3A_228 = arith.constant 0.000000e+00 : f32
      %jit3A_229 = arith.constant 1.000000e+00 : f32
      %max3A_230 = vector.broadcast %jit3A_228 : f32 to vector<16xf32>
      %max3A_231 = arith.maximumf %max3A_230, %mul3A_227 : vector<16xf32>
      %min3A_232 = vector.broadcast %jit3A_229 : f32 to vector<16xf32>
      %min3A_233 = arith.minimumf %min3A_232, %max3A_231 : vector<16xf32>
      %get3A_234 = arith.constant 512 : i32
      %get3A_235 = tpu.memref_slice %arg9[%get3A_234] : memref<2048xf32, #tpu.memory_space<vmem>> -> memref<512xf32, #tpu.memory_space<vmem>>
      %get3A_236 = arith.index_cast %mul3A_218 : i32 to index
      %get3A_237 = tpu.vector_load %get3A_235[%get3A_236] {strides = array<i32>} : memref<512xf32, #tpu.memory_space<vmem>>, vector<16xf32>,
      %get3A_238 = vector.shape_cast %get3A_237 : vector<16xf32> to vector<16xf32>
      %get3A_239 = arith.constant 1024 : i32
      %get3A_240 = tpu.memref_slice %arg9[%get3A_239] : memref<2048xf32, #tpu.memory_space<vmem>> -> memref<512xf32, #tpu.memory_space<vmem>>
      %get3A_241 = arith.index_cast %mul3A_218 : i32 to index
      %get3A_242 = tpu.vector_load %get3A_240[%get3A_241] {strides = array<i32>} : memref<512xf32, #tpu.memory_space<vmem>>, vector<16xf32>,
      %get3A_243 = vector.shape_cast %get3A_242 : vector<16xf32> to vector<16xf32>
      %sub3A_244 = vector.broadcast %scan3A_99 : f32 to vector<16xf32>
      %sub3A_245 = arith.subf %sub3A_244, %min3A_233 : vector<16xf32>
      %mul3A_246 = arith.mulf %get3A_243, %sub3A_245 : vector<16xf32>
      %add3A_247 = arith.addf %get3A_238, %mul3A_246 : vector<16xf32>
      %swap3A_248 = arith.constant 1536 : i32
      %swap3A_249 = tpu.memref_slice %arg9[%swap3A_248] : memref<2048xf32, #tpu.memory_space<vmem>> -> memref<512xf32, #tpu.memory_space<vmem>>
      %swap3A_250 = arith.index_cast %mul3A_218 : i32 to index
      %swap3A_251 = tpu.vector_load %swap3A_249[%swap3A_250] {strides = array<i32>} : memref<512xf32, #tpu.memory_space<vmem>>, vector<16xf32>,
      %swap3A_252 = vector.shape_cast %swap3A_251 : vector<16xf32> to vector<16xf32>
      %swap3A_253 = vector.shape_cast %add3A_247 : vector<16xf32> to vector<16xf32>
      tpu.vector_store %swap3A_249[%swap3A_250], %swap3A_253 {strides = array<i32>} : memref<512xf32, #tpu.memory_space<vmem>>, vector<16xf32>,
    }
    %scan3A_104 = arith.constant 32 : i32
    "tpu.region"() ({
      %run_scoped3A = tpu.sem_alloc : memref<!tpu.dma_semaphore, #tpu.memory_space<semaphore_mem>>
      %dma_start3A_105 = arith.constant 1536 : i32
      %dma_start3A_106 = tpu.memref_slice %arg9[%dma_start3A_105] : memref<2048xf32, #tpu.memory_space<vmem>> -> memref<512xf32, #tpu.memory_space<vmem>>
      %dma_start3A_107 = tpu.memref_slice %arg7[%mul3A_2] : memref<16384xf32, #tpu.memory_space<hbm>> -> memref<512xf32, #tpu.memory_space<hbm>>
      %dma_start3A_108 = tpu.memref_slice %arg7[%mul3A_2] : memref<16384xf32, #tpu.memory_space<hbm>> -> memref<512xf32, #tpu.memory_space<hbm>>
      %dma_start3A_109 = arith.constant 1536 : i32
      %dma_start3A_110 = tpu.memref_slice %arg9[%dma_start3A_109] : memref<2048xf32, #tpu.memory_space<vmem>> -> memref<512xf32, #tpu.memory_space<vmem>>
      tpu.enqueue_dma source(%dma_start3A_110 : memref<512xf32, #tpu.memory_space<vmem>>) target(%dma_start3A_108 : memref<512xf32, #tpu.memory_space<hbm>>) target_semaphore(%run_scoped3A : memref<!tpu.dma_semaphore, #tpu.memory_space<semaphore_mem>>)
      %dma_wait3A_111 = arith.constant 1536 : i32
      %dma_wait3A_112 = tpu.memref_slice %arg9[%dma_wait3A_111] : memref<2048xf32, #tpu.memory_space<vmem>> -> memref<512xf32, #tpu.memory_space<vmem>>
      %dma_wait3A_113 = tpu.memref_slice %arg7[%mul3A_2] : memref<16384xf32, #tpu.memory_space<hbm>> -> memref<512xf32, #tpu.memory_space<hbm>>
      %dma_wait3A_114 = tpu.memref_slice %arg7[%mul3A_2] : memref<16384xf32, #tpu.memory_space<hbm>> -> memref<512xf32, #tpu.memory_space<hbm>>
      %dma_wait3A_115 = arith.constant 1536 : i32
      %dma_wait3A_116 = tpu.memref_slice %arg9[%dma_wait3A_115] : memref<2048xf32, #tpu.memory_space<vmem>> -> memref<512xf32, #tpu.memory_space<vmem>>
      tpu.wait_dma2 semaphore(%run_scoped3A : memref<!tpu.dma_semaphore, #tpu.memory_space<semaphore_mem>>) src(%dma_wait3A_116 : memref<512xf32, #tpu.memory_space<vmem>>) dst(%dma_wait3A_114 : memref<512xf32, #tpu.memory_space<hbm>>)
      tpu.yield
    }) : () -> ()
    return
  }
}

</mosaic_0001>

<sc_bundles>
// kernel: _run.3.cloned.1.call-start
scs
__scs_entry_jumppad:
0x0: {  	(pc) =	sbr.rel $0x88, $3  }
0x1: {  	(tag) =	ssettag $0x0;
	lr =	simm.s32 $0x1  }
0x2: {  	[smem:$0x3F9C] =	sst lr;
	_ =	strace $0xD0000000  }
0x3: {  	_ = 	snop  }
0x4: {  	_ = 	snop  }
0x5: {  	_ = 	snop  }
0x6: {  	_ = 	snop  }
0x7: {  	_ = 	snop  }
__scs_overlays_trampoline_lowered:
0x8: {  	[smem:$0x3FAB] =	sst s0  }
0x9: {  	[smem:$0x3FAC] =	sst s1  }
0xa: {  	[smem:$0x3FAD] =	sst s2  }
0xb: {  	[smem:$0x3FAE] =	sst s3  }
0xc: {  	[smem:$0x3FAF] =	sst s4  }
0xd: {  	[smem:$0x3FB0] =	sst s5  }
0xe: {  	[smem:$0x3FB1] =	sst s6  }
0xf: {  	[smem:$0x3FB2] =	sst s7  }
0x10: {  	[smem:$0x3FB3] =	sst s8  }
0x11: {  	[smem:$0x3FB4] =	sst s9;
	s0 =	simm.s32 @!p0 $0x0  }
0x12: {  	s1 =	sld [smem:$0x3F9A];
	s0 =	simm.s32 @p0 $0x1  }
0x13: {  	[smem:$0x3FB5] =	sst s0;
	s0 =	simm.s32 @!p1 $0x0  }
0x14: {  	s2 =	sld [smem:$0x3F99];
	s0 =	simm.s32 @p1 $0x1  }
0x15: {  	[smem:$0x3FB6] =	sst s0;
	s0 =	simm.s32 @!p2 $0x0  }
0x16: {  	s3 =	sld [smem:$0x3FDB];
	s0 =	simm.s32 @p2 $0x1  }
0x17: {  	s4 =	simm.s32 $0x1BF5;
	[smem:$0x3FB8] =	sst s0  }
0x18: {  	s0 =	sld [smem:$0x3F9B];
	_ =	swait.ge [sflag:s4], $0x0  }
0x19: {  	s7 =	sld [smem:$0x3F9C]  }
0x1a: {  	s8 =	sadd.s32 $0xFFFFE003, lr  }
0x1b: {  	s9 =	sadd.s32 $0xFFFFFEF7, lr;
	s5 =	simm.s32 $0xFFFFFFFF;
	p2 =	slt.u32 s8, $0xFFFFF086  }
0x1c: {  	p1 =	slt.u32 s9, $0xF7A;
	s5 =	simm.s32 @!p2 $0x0  }
0x1d: {  	s5 =	simm.s32 @p1 $0x1;
	p0 =	seq.s32 s7, s2  }
0x1e: {  	s7 =	smul.u32 @!p0 $0xF7A, s2;
	p2 =	seq.s32 @!p0 s5, $0x0  }
0x1f: {  	s9 =	smul.u32 $0xF7A, s1;
	s8 =	simm.s32 @!p0 $0x1BF5;
	p2 =	por !p2, p0  }
0x20: {  	[sflag:s8] =	ssyncset.s32 @!p0 $0xFFFFF086;
	s6 =	sadd.s32 @!p0 s3, s7;
	s7 =	simm.s32 @!p0 $0x108  }
0x21: {  	s3 =	sadd.s32 s3, s9;
	s6 =	sadd.s32 @!p0 $0x88, s6;
	s7 =	simm.s32 @p2 $0x1082  }
0x22: {  	[simem:s7], [sflag:s8] =	dma.local @!p0 [hbm:s6], $0xF7A  }
0x23: {  	s9 =	sor.u32 $0xD0000000, s2;
	s6 =	simm.s32 $0x108;
	_ =	swait.ge @!p0 [sflag:s8], $0x0  }
0x24: {  	s3 =	sadd.s32 $0x88, s3;
	s6 =	simm.s32 @!p1 $0x1082;
	[sflag:s4] =	ssyncset.s32 $0xFFFFF086  }
0x25: {  	[simem:s6], [sflag:s4] =	dma.local [hbm:s3], $0xF7A  }
0x26: {  	[smem:$0x3F9C] =	sst s1;
	(tag) =	ssettag s2;
	_ =	strace s9  }
0x27: {  	s1 =	sld [smem:$0x3FAC]  }
0x28: {  	s2 =	sld [smem:$0x3FAD]  }
0x29: {  	s4 =	sld [smem:$0x3FAF]  }
0x2a: {  	p0 =	seq.s32 s5, $0x0;
	s5 =	sld [smem:$0x3FB0]  }
0x2b: {  	s6 =	sld [smem:$0x3FB1]  }
0x2c: {  	s7 =	sld [smem:$0x3FB2]  }
0x2d: {  	s3 =	simm.s32 $0x108;
	s8 =	sld [smem:$0x3FB3]  }
0x2e: {  	s3 =	simm.s32 @!p0 $0x1082;
	s9 =	sld [smem:$0x3FB4]  }
0x2f: {  	lr =	sadd.s32 s0, s3;
	s0 =	sld [smem:$0x3FAB]  }
0x30: {  	s3 =	sld [smem:$0x3FAE]  }
0x31: {  	[smem:$0x3FB7] =	sst s10  }
0x32: {  	s10 =	sld [smem:$0x3FB5];
	_ =	sdelay $0x3  }
0x33: {  	p0 =	seq.s32 s10, $0x1;
	s10 =	sld [smem:$0x3FB7];
	_ =	sdelay $0x3  }
0x34: {  	[smem:$0x3FB7] =	sst s10  }
0x35: {  	s10 =	sld [smem:$0x3FB6];
	_ =	sdelay $0x3  }
0x36: {  	p1 =	seq.s32 s10, $0x1;
	s10 =	sld [smem:$0x3FB7];
	_ =	sdelay $0x3  }
0x37: {  	[smem:$0x3FB7] =	sst s10  }
0x38: {  	s10 =	sld [smem:$0x3FB8]  }
0x39: {  	_ = 	snop;
	(pc) =	sbr.ind lr, $3  }
0x3a: {  	_ = 	snop  }
0x3b: {  	_ = 	snop  }
0x3c: {  	p2 =	seq.s32 s10, $0x1;
	s10 =	sld [smem:$0x3FB7]  }
0x3d: {  	_ =	shalt  }
0x3e: {  	_ =	shalt  }
0x3f: {  	_ =	shalt  }
0x40: {  	_ =	shalt  }
0x41: {  	_ =	shalt  }
0x42: {  	_ =	shalt  }
0x43: {  	_ =	shalt  }
0x44: {  	_ =	shalt  }
0x45: {  	_ =	shalt  }
0x46: {  	_ =	shalt  }
0x47: {  	_ =	shalt  }
0x48: {  	_ =	shalt  }
0x49: {  	_ =	shalt  }
0x4a: {  	_ =	shalt  }
0x4b: {  	_ =	shalt  }
0x4c: {  	_ =	shalt  }
0x4d: {  	_ =	shalt  }
0x4e: {  	_ =	shalt  }
0x4f: {  	_ =	shalt  }
0x50: {  	_ =	shalt  }
0x51: {  	_ =	shalt  }
0x52: {  	_ =	shalt  }
0x53: {  	_ =	shalt  }
0x54: {  	_ =	shalt  }
0x55: {  	_ =	shalt  }
0x56: {  	_ =	shalt  }
0x57: {  	_ =	shalt  }
0x58: {  	_ =	shalt  }
0x59: {  	_ =	shalt  }
0x5a: {  	_ =	shalt  }
0x5b: {  	_ =	shalt  }
0x5c: {  	_ =	shalt  }
0x5d: {  	_ =	shalt  }
0x5e: {  	_ =	shalt  }
0x5f: {  	_ =	shalt  }
0x60: {  	_ =	shalt  }
0x61: {  	_ =	shalt  }
0x62: {  	_ =	shalt  }
0x63: {  	_ =	shalt  }
0x64: {  	_ =	shalt  }
0x65: {  	_ =	shalt  }
0x66: {  	_ =	shalt  }
0x67: {  	_ =	shalt  }
0x68: {  	_ =	shalt  }
0x69: {  	_ =	shalt  }
0x6a: {  	_ =	shalt  }
0x6b: {  	_ =	shalt  }
0x6c: {  	_ =	shalt  }
0x6d: {  	_ =	shalt  }
0x6e: {  	_ =	shalt  }
0x6f: {  	_ =	shalt  }
0x70: {  	_ =	shalt  }
0x71: {  	_ =	shalt  }
0x72: {  	_ =	shalt  }
0x73: {  	_ =	shalt  }
0x74: {  	_ =	shalt  }
0x75: {  	_ =	shalt  }
0x76: {  	_ =	shalt  }
0x77: {  	_ =	shalt  }
0x78: {  	_ =	shalt  }
0x79: {  	_ =	shalt  }
0x7a: {  	_ =	shalt  }
0x7b: {  	_ =	shalt  }
0x7c: {  	_ =	shalt  }
0x7d: {  	_ =	shalt  }
0x7e: {  	_ =	shalt  }
0x7f: {  	_ =	shalt  }
0x80: {  	_ =	shalt  }
0x81: {  	_ =	shalt  }
0x82: {  	_ =	shalt  }
0x83: {  	_ =	shalt  }
0x84: {  	_ =	shalt  }
0x85: {  	_ =	shalt  }
0x86: {  	_ =	shalt  }
0x87: {  	_ =	shalt  }
.Lfunc_end0:
.L_simem_size_0:
called_computation_lowered:
.L_overlay_start_0:
0x88: {  	s2 =	sld [smem:$0x3FD9]  }
0x89: {  	s3 =	sld [smem:$0x3FFE];
	_ =	sdelay $0x1  }
0x8a: {  	s1 =	srdreg.scid  }
0x8b: {  	s0 =	sand.u32 $0x1, s1  }
0x8c: {  	s18 =	sshll.u32 s0, $0xA;
	s2 =	sadd.s32 s3, s2  }
0x8d: {  	s2 =	sadd.s32 s2, s18  }
0x8e: {  	[smem:$0x3FC3] =	sst s2  }
0x8f: {  	_ = 	snop  }
0x90: {  	s2 =	sld [smem:$0x3FC9]  }
0x91: {  	s19 =	sld [smem:$0x3FC8]  }
0x92: {  	s4 =	sld [smem:$0x3FC7]  }
0x93: {  	s5 =	sld [smem:$0x3FC6]  }
0x94: {  	s6 =	sld [smem:$0x3FC5]  }
0x95: {  	s7 =	sld [smem:$0x3FD0];
	(tm) =	ssettm $0x1  }
0x96: {  	s8 =	sld [smem:$0x3FFB];
	_ =	sdelay $0x3  }
0x97: {  	_ =	strace s8  }
0x98: {  	s8 =	sld [smem:$0x3FFC];
	_ =	sdelay $0x3  }
0x99: {  	_ =	strace s8  }
0x9a: {  	s8 =	sld [smem:$0x3FFD];
	_ =	sdelay $0x3  }
0x9b: {  	_ =	strace s8  }
0x9c: {  	_ =	strace $0x8FFFFFFF  }
0x9d: {  	s20 =	sld [smem:$0x3FDB];
	_ =	sdelay $0x1  }
0x9e: {  	s9 =	simm.s32 $_scs_section_size  }
0x9f: {  	s10 =	simm.s32 $_size__tile_overlayer_lowered;
	s11 =	simm.s32 $_tile_overlayer_lowered  }
0xa0: {  	s23 =	simm.s32 $0x1BFF;
	s22 =	sshll.u32 s11, $0x1;
	s8 =	sadd.s32 s9, s20  }
0xa1: {  	s12 =	simm.s32 $0x0;
	s21 =	sshll.u32 s10, $0x1;
	s10 =	sadd.s32 s22, s8  }
0xa2: {  	[timem:s12], [sflag:s23] =	dma.local [hbm:s10], s21  }
0xa3: {  	_ =	swait.ge [sflag:s23], s21  }
0xa4: {  	s9 =	ssub.s32 $0x0, s21;
	[sflag:s23] =	ssyncset.done $0x0  }
0xa5: {  	[sflag:s23] =	ssyncadd.s32 s9;
	_ =	sdelay $0x1  }
0xa6: {  	s24 =	simm.s32 $0x1B8B  }
0xa7: {  	_ =	swait.ge [sflag:s24], $0x1  }
0xa8: {  	[sflag:s24] =	ssyncset.done $0x0  }
0xa9: {  	s25 =	simm.s32 $0x1B8E;
	[sflag:s24] =	ssyncadd.s32 $0xFFFFFFFF  }
0xaa: {  	s26 =	simm.s32 $execute0_lowered;
	[smem:$0x3FD2] =	sst s25  }
0xab: {  	s9 =	sshll.u32 s26, $0x1;
	_ =	strace $0x80000046;
	[dreg:$0x1] =	wrdreg $0xFFFFFFFF  }
0xac: {  	s28 =	simm.s32 $_size_execute0_lowered;
	s8 =	sadd.s32 s8, s9;
	[dreg:$0x0] =	wrdreg $0x0  }
0xad: {  	s9 =	sshll.u32 s28, $0x1;
	[dreg:$0x2] =	wrdreg s8  }
0xae: {  	[dreg:$0x3] =	wrdreg s9  }
0xaf: {  	[dreg:$0x4] =	wrdreg $0xC0  }
0xb0: {  	_ =	task [dreg:s12], $0x5FFFF  }
0xb1: {  	[dreg:$0x1] =	wrdreg $0xFFFFFFFF  }
0xb2: {  	[dreg:$0x0] =	wrdreg $0x60  }
0xb3: {  	[dreg:$0x2] =	wrdreg s2  }
0xb4: {  	[dreg:$0x3] =	wrdreg s19  }
0xb5: {  	[dreg:$0x4] =	wrdreg s4  }
0xb6: {  	[dreg:$0x5] =	wrdreg s5  }
0xb7: {  	[dreg:$0x6] =	wrdreg s6  }
0xb8: {  	[dreg:$0x7] =	wrdreg s7  }
0xb9: {  	[dreg:$0x8] =	wrdreg $0x9  }
0xba: {  	_ =	task.clear_ibuf [dreg:s12], $0x9FFFF;
	_ =	strace $0x90000046  }
0xbb: {  	s29 =	simm.s32 $0x9;
	_ =	strace $0x80000048  }
0xbc: {  	_ =	swait.ge [sflag:s29], $0x1  }
0xbd: {  	[sflag:s29] =	ssyncadd.s32 $0xFFFFFFFF  }
0xbe: {  	_ =	strace $0x90000048  }
0xbf: {  	_ =	sfence  }
0xc0: {  	s30 =	sld [smem:$0x0];
	_ =	sdelay $0x2  }
0xc1: {  	s31 =	sshll.u32 s1, $0xD;
	s1 =	sshrl.u32 s1, $0x2  }
0xc2: {  	s3 =	sand.u32 $0x4000, s31;
	s1 =	sadd.s32 s1, s30  }
0xc3: {  	s0 =	sor.u32 s3, s0;
	s1 =	sshll.u32 s1, $0x11  }
0xc4: {  	s0 =	sor.u32 s1, s0  }
0xc5: {  	s0 =	sadd.s32 $0x8F2B, s0  }
0xc6: {  	[sflag:s0] =	ssyncadd.remote.s32 $0x1  }
0xc7: {  	_ =	sfence.sel $0xFFFF  }
0xc8: {  	[dreg:$0x0] =	wrdreg $0xFFFFFFFF;
	(pc) =	sbr.abs _section_cstart, $3  }
0xc9: {  	[dreg:$0x1] =	wrdreg $0xFFFFFFFF  }
0xca: {  	_ =	task.clear_ibuf [dreg:s12], $0x2FFFF;
	_ =	strace $0x9FFFFFFF  }
0xcb: {  	(tm) =	ssettm $0x7FFFFFFF  }
tec
execute0_lowered:
.L_overlay_start_1:
0x0: {  	(tag) =	ssettag $0x1  }
0x1: {  	s7 =	rddreg [dreg:$0x0]  }
0x2: {  	s5 =	rddreg [dreg:$0x1]  }
0x3: {  	s6 =	rddreg [dreg:$0x2]  }
0x4: {  	s1 =	rddreg [dreg:$0x3]  }
0x5: {  	s2 =	rddreg [dreg:$0x4]  }
0x6: {  	s8 =	rddreg [dreg:$0x5];
	s3 =	srdreg.scid  }
0x7: {  	s0 =	rddreg [dreg:$0x6];
	s4 =	simm.s32 $0x0;
	s13 =	simm.s32 $0x600  }
0x8: {  	s14 =	simm.s32 $0x4;
	s15 =	simm.s32 $0x1;
	s16 =	simm.s32 $0x2  }
0x9: {  	s17 =	simm.s32 $0xA00;
	s18 =	simm.s32 $0x5;
	s19 =	simm.s32 $0x0  }
0xa: {  	s9 =	sand.u32 $0x1, s3;
	[smem:$0x7FF] =	sst s4;
	s3 =	stileid.u32  }
0xb: {  	s10 =	ssub.s32 $0x2, s9;
	s12 =	sshll.u32 s3, $0x7;
	s9 =	sshll.u32 s9, $0x6  }
0xc: {  	_ =	strace $0x80000047;
	s11 =	sshrl.u32 s10, $0x1;
	s9 =	sor.u32 s9, s12  }
0xd: {  	s12 =	simm.s32 $0x3;
	s10 =	ssub.s32 s10, s11;
	s5 =	sadd.s32 s5, s9  }
0xe: {  	s6 =	sadd.s32 s6, s9;
	s7 =	sadd.s32 s7, s9;
	s8 =	sadd.s32 s8, s9  }
0xf: {  	s11 =	simm.s32 $0x400;
	s9 =	smax.u32 s10, $0x1;
	s10 =	simm.s32 $0x200  }
.LBB2_1:
0x10: {  	[tilespmem:s4], [sflag:$0x3] =	stream.linear.gather [hbm4b:s5+s4], $0x200, $0x38;
	[tilespmem:$0xC00] =	vst v63  }
0x11: {  	_ = 	snop  }
0x12: {  	[tilespmem:s10], [sflag:$0x3] =	stream.linear.gather [hbm4b:s6+s4], $0x200, $0x38;
	[tilespmem:$0xC00] =	vst v63  }
0x13: {  	_ = 	snop  }
0x14: {  	[tilespmem:s11], [sflag:$0x4] =	stream.linear.gather [hbm4b:s7+s4], $0x200, $0x38;
	[tilespmem:$0xC00] =	vst v63  }
0x15: {  	_ =	swait.ge [sflag:s12], $0x200  }
0x16: {  	[sflag:s12] =	ssyncset.done $0x0  }
0x17: {  	[sflag:s12] =	ssyncadd.s32 $0xFFFFFE00  }
0x18: {  	_ =	swait.ge [sflag:s12], $0x200  }
0x19: {  	[sflag:s12] =	ssyncset.done $0x0  }
0x1a: {  	[sflag:s12] =	ssyncadd.s32 $0xFFFFFE00  }
0x1b: {  	v0 =	vld [tilespmem:$0x0]  }
0x1c: {  	v1 =	vld [tilespmem:$0x200]  }
0x1d: {  	v2 =	vld [tilespmem:$0x10]  }
0x1e: {  	v3 =	vld [tilespmem:$0x210]  }
0x1f: {  	v4 =	vld [tilespmem:$0x20]  }
0x20: {  	v5 =	vld [tilespmem:$0x220]  }
0x21: {  	v6 =	vld [tilespmem:$0x30]  }
0x22: {  	v7 =	vld [tilespmem:$0x230]  }
0x23: {  	v8 =	vld [tilespmem:$0x40]  }
0x24: {  	v9 =	vld [tilespmem:$0x240]  }
0x25: {  	v10 =	vld [tilespmem:$0x50]  }
0x26: {  	v11 =	vld [tilespmem:$0x250]  }
0x27: {  	v12 =	vld [tilespmem:$0x60]  }
0x28: {  	v13 =	vld [tilespmem:$0x260]  }
0x29: {  	v14 =	vld [tilespmem:$0x70]  }
0x2a: {  	v15 =	vld [tilespmem:$0x270]  }
0x2b: {  	v16 =	vld [tilespmem:$0x80]  }
0x2c: {  	v17 =	vld [tilespmem:$0x280]  }
0x2d: {  	v18 =	vld [tilespmem:$0x90]  }
0x2e: {  	v19 =	vld [tilespmem:$0x290]  }
0x2f: {  	v20 =	vld [tilespmem:$0xA0]  }
0x30: {  	v21 =	vld [tilespmem:$0x2A0]  }
0x31: {  	v22 =	vld [tilespmem:$0xB0]  }
0x32: {  	v23 =	vld [tilespmem:$0x2B0]  }
0x33: {  	v24 =	vld [tilespmem:$0xC0]  }
0x34: {  	v25 =	vld [tilespmem:$0x2C0]  }
0x35: {  	v26 =	vld [tilespmem:$0xD0]  }
0x36: {  	v27 =	vld [tilespmem:$0x2D0]  }
0x37: {  	v28 =	vld [tilespmem:$0xE0]  }
0x38: {  	v29 =	vld [tilespmem:$0x2E0]  }
0x39: {  	v30 =	vld [tilespmem:$0xF0]  }
0x3a: {  	v31 =	vld [tilespmem:$0x2F0]  }
0x3b: {  	v32 =	vld [tilespmem:$0x100]  }
0x3c: {  	v33 =	vld [tilespmem:$0x300]  }
0x3d: {  	v34 =	vld [tilespmem:$0x110]  }
0x3e: {  	v35 =	vld [tilespmem:$0x310]  }
0x3f: {  	v36 =	vld [tilespmem:$0x120];
	v0 =	vshll.u32 v0, $0x7  }
0x40: {  	v56 =	vld [tilespmem:$0x370];
	v0 =	vadd.s32 v1, v0;
	v1 =	vshll.u32 v2, $0x7  }
0x41: {  	v57 =	vld [tilespmem:$0x180];
	[tilespmem:$0x0] =	vst v0;
	v0 =	vadd.s32 v3, v1;
	v1 =	vshll.u32 v4, $0x7  }
0x42: {  	v58 =	vld [tilespmem:$0x380];
	[tilespmem:$0x10] =	vst v0;
	v0 =	vadd.s32 v5, v1;
	v1 =	vshll.u32 v6, $0x7  }
0x43: {  	v59 =	vld [tilespmem:$0x190];
	[tilespmem:$0x20] =	vst v0;
	v0 =	vadd.s32 v7, v1;
	v1 =	vshll.u32 v8, $0x7  }
0x44: {  	v60 =	vld [tilespmem:$0x390];
	[tilespmem:$0x30] =	vst v0;
	v0 =	vadd.s32 v9, v1;
	v1 =	vshll.u32 v10, $0x7  }
0x45: {  	v61 =	vld [tilespmem:$0x1A0];
	[tilespmem:$0x40] =	vst v0;
	v0 =	vadd.s32 v11, v1;
	v1 =	vshll.u32 v12, $0x7  }
0x46: {  	v62 =	vld [tilespmem:$0x3A0];
	[tilespmem:$0x50] =	vst v0;
	v0 =	vadd.s32 v13, v1;
	v1 =	vshll.u32 v14, $0x7  }
0x47: {  	v63 =	vld [tilespmem:$0x1B0];
	[tilespmem:$0x60] =	vst v0;
	v0 =	vadd.s32 v15, v1;
	v1 =	vshll.u32 v16, $0x7  }
0x48: {  	v2 =	vld [tilespmem:$0x320];
	[tilespmem:$0x70] =	vst v0;
	v0 =	vadd.s32 v17, v1;
	v1 =	vshll.u32 v18, $0x7  }
0x49: {  	v3 =	vld [tilespmem:$0x130];
	[tilespmem:$0x80] =	vst v0;
	v0 =	vadd.s32 v19, v1;
	v1 =	vshll.u32 v20, $0x7  }
0x4a: {  	v4 =	vld [tilespmem:$0x330];
	[tilespmem:$0x90] =	vst v0;
	v0 =	vadd.s32 v21, v1;
	v1 =	vshll.u32 v22, $0x7  }
0x4b: {  	v5 =	vld [tilespmem:$0x140];
	[tilespmem:$0xA0] =	vst v0;
	v0 =	vadd.s32 v23, v1;
	v1 =	vshll.u32 v24, $0x7  }
0x4c: {  	v6 =	vld [tilespmem:$0x340];
	[tilespmem:$0xB0] =	vst v0;
	v0 =	vadd.s32 v25, v1;
	v1 =	vshll.u32 v26, $0x7  }
0x4d: {  	v7 =	vld [tilespmem:$0x150];
	[tilespmem:$0xC0] =	vst v0;
	v0 =	vadd.s32 v27, v1;
	v1 =	vshll.u32 v28, $0x7  }
0x4e: {  	v8 =	vld [tilespmem:$0x350];
	[tilespmem:$0xD0] =	vst v0;
	v0 =	vadd.s32 v29, v1;
	v1 =	vshll.u32 v30, $0x7  }
0x4f: {  	v9 =	vld [tilespmem:$0x160];
	[tilespmem:$0xE0] =	vst v0;
	v0 =	vadd.s32 v31, v1;
	v1 =	vshll.u32 v32, $0x7  }
0x50: {  	v10 =	vld [tilespmem:$0x360];
	[tilespmem:$0xF0] =	vst v0;
	v0 =	vadd.s32 v33, v1;
	v1 =	vshll.u32 v34, $0x7  }
0x51: {  	v11 =	vld [tilespmem:$0x170];
	[tilespmem:$0x100] =	vst v0;
	v0 =	vadd.s32 v35, v1;
	v1 =	vshll.u32 v36, $0x7  }
0x52: {  	[tilespmem:$0x110] =	vst v0;
	v0 =	vadd.s32 v2, v1;
	v1 =	vshll.u32 v3, $0x7;
	v2 =	vld [tilespmem:$0x3B0]  }
0x53: {  	v3 =	vld [tilespmem:$0x1C0];
	[tilespmem:$0x120] =	vst v0;
	v0 =	vadd.s32 v4, v1;
	v1 =	vshll.u32 v5, $0x7  }
0x54: {  	v4 =	vld [tilespmem:$0x3C0];
	[tilespmem:$0x130] =	vst v0;
	v0 =	vadd.s32 v6, v1;
	v1 =	vshll.u32 v7, $0x7  }
0x55: {  	v5 =	vld [tilespmem:$0x1D0];
	[tilespmem:$0x140] =	vst v0;
	v0 =	vadd.s32 v8, v1;
	v1 =	vshll.u32 v9, $0x7  }
0x56: {  	v6 =	vld [tilespmem:$0x3D0];
	[tilespmem:$0x150] =	vst v0;
	v0 =	vadd.s32 v10, v1;
	v1 =	vshll.u32 v11, $0x7  }
0x57: {  	v7 =	vld [tilespmem:$0x1E0];
	[tilespmem:$0x160] =	vst v0;
	v0 =	vadd.s32 v56, v1;
	v1 =	vshll.u32 v57, $0x7  }
0x58: {  	v8 =	vld [tilespmem:$0x3E0];
	[tilespmem:$0x170] =	vst v0;
	v0 =	vadd.s32 v58, v1;
	v1 =	vshll.u32 v59, $0x7  }
0x59: {  	v9 =	vld [tilespmem:$0x1F0];
	[tilespmem:$0x180] =	vst v0;
	v0 =	vadd.s32 v60, v1;
	v1 =	vshll.u32 v61, $0x7  }
0x5a: {  	v10 =	vld [tilespmem:$0x3F0];
	[tilespmem:$0x190] =	vst v0;
	v0 =	vadd.s32 v62, v1;
	v1 =	vshll.u32 v63, $0x7  }
0x5b: {  	[tilespmem:$0x1A0] =	vst v0;
	v0 =	vadd.s32 v2, v1;
	v1 =	vshll.u32 v3, $0x7  }
0x5c: {  	[tilespmem:$0x1B0] =	vst v0;
	v0 =	vadd.s32 v4, v1;
	v1 =	vshll.u32 v5, $0x7  }
0x5d: {  	[tilespmem:$0x1C0] =	vst v0;
	v0 =	vadd.s32 v6, v1;
	v1 =	vshll.u32 v7, $0x7  }
0x5e: {  	[tilespmem:$0x1D0] =	vst v0;
	v0 =	vadd.s32 v8, v1;
	v1 =	vshll.u32 v9, $0x7  }
0x5f: {  	[tilespmem:$0x1E0] =	vst v0;
	v0 =	vadd.s32 v10, v1  }
0x60: {  	[tilespmem:$0x1F0] =	vst v0  }
0x61: {  	[tilespmem:s13], [sflag:$0x1] =	stream.indirect.gather [hbm4b:s1+s10], $0x1, s4, s10, $0xb8;
	[tilespmem:$0xC00] =	vst v63  }
0x62: {  	s20 =	simm.s32 $0x800  }
0x63: {  	[tilespmem:s20], [sflag:$0x2] =	stream.indirect.gather [hbm4b:s2+s10], $0x1, s4, s10, $0xb8;
	[tilespmem:$0xC00] =	vst v63  }
0x64: {  	_ =	swait.ge [sflag:s14], $0x200  }
0x65: {  	[sflag:s14] =	ssyncset.done $0x0  }
0x66: {  	[sflag:s14] =	ssyncadd.s32 $0xFFFFFE00  }
0x67: {  	_ =	swait.ge [sflag:s15], $0x200  }
0x68: {  	[sflag:s15] =	ssyncset.done $0x0  }
0x69: {  	[sflag:s15] =	ssyncadd.s32 $0xFFFFFE00  }
0x6a: {  	_ =	swait.ge [sflag:s16], $0x200  }
0x6b: {  	[sflag:s16] =	ssyncset.done $0x0  }
0x6c: {  	[sflag:s16] =	ssyncadd.s32 $0xFFFFFE00  }
0x6d: {  	v1 =	vld [tilespmem:s20+$0xFFFFFC30]  }
0x6e: {  	v2 =	vld [tilespmem:s20+$0xFFFFFC10]  }
0x6f: {  	v3 =	vld [tilespmem:s20+$0xFFFFFC20]  }
0x70: {  	v4 =	vld [tilespmem:s20+$0xFFFFFC00]  }
0x71: {  	v5 =	vld [tilespmem:s20+$0x30]  }
0x72: {  	v0 =	vld [tilespmem:s20+$0x0];
	v1 =	vmax.f32 v1, $0.0e+00  }
0x73: {  	v8 =	vld [tilespmem:s20+$0xFFFFFE30];
	v6 =	vmin.f32 v1, $1.000000000e+00  }
0x74: {  	v2 =	vmax.f32 v2, $0.0e+00;
	v3 =	vmax.f32 v3, $0.0e+00;
	v1 =	vld [tilespmem:s20+$0x10];
	v6 =	vsub.f32 $4.499999880e-01, v6  }
0x75: {  	v4 =	vmax.f32 v4, $0.0e+00;
	v7 =	vmin.f32 v2, $1.000000000e+00;
	v2 =	vld [tilespmem:s20+$0x20];
	v9 =	vmin.f32 v3, $1.000000000e+00  }
0x76: {  	v3 =	vld [tilespmem:s20+$0xFFFFFE00];
	v4 =	vmin.f32 v4, $1.000000000e+00;
	v10 =	vmul.f32 v6, v5;
	v6 =	vsub.f32 $4.499999880e-01, v7  }
0x77: {  	v7 =	vsub.f32 $4.499999880e-01, v9;
	v5 =	vld [tilespmem:s20+$0xFFFFFE10];
	v9 =	vsub.f32 $4.499999880e-01, v4  }
0x78: {  	s21 =	simm.s32 $0x0;
	s22 =	simm.s32 $0x840;
	v4 =	vld [tilespmem:s20+$0xFFFFFE20];
	v8 =	vadd.f32 v10, v8  }
.LBB2_2:
0x79: {  	v10 =	vld [tilespmem:s22+$0xFFFFFC30];
	s21 =	sadd.s32 $0x4, s21;
	v0 =	vmul.f32 v9, v0;
	v1 =	vmul.f32 v6, v1  }
0x7a: {  	v6 =	vld [tilespmem:s22+$0xFFFFFC10];
	p0 =	slt.u32 s21, $0x1C;
	v2 =	vmul.f32 v7, v2;
	[tilespmem:s20+$0x230] =	vst v8  }
0x7b: {  	v7 =	vld [tilespmem:s22+$0xFFFFFC20];
	v0 =	vadd.f32 v0, v3  }
0x7c: {  	v3 =	vld [tilespmem:s22+$0xFFFFFC00];
	v1 =	vadd.f32 v1, v5  }
0x7d: {  	v5 =	vld [tilespmem:s22+$0x30];
	[tilespmem:s20+$0x200] =	vst v0;
	v2 =	vadd.f32 v2, v4  }
0x7e: {  	v0 =	vld [tilespmem:s22+$0x0];
	v4 =	vmax.f32 v10, $0.0e+00;
	[tilespmem:s20+$0x210] =	vst v1  }
0x7f: {  	v1 =	vmax.f32 v6, $0.0e+00;
	v4 =	vmin.f32 v4, $1.000000000e+00;
	v8 =	vld [tilespmem:s22+$0xFFFFFE30];
	[tilespmem:s20+$0x220] =	vst v2;
	s20 =	smov.u32 s22  }
.Ltmp0:
0x80: {  	v2 =	vmin.f32 v1, $1.000000000e+00;
	v1 =	vld [tilespmem:s22+$0x10];
	v7 =	vmax.f32 v7, $0.0e+00;
	v4 =	vsub.f32 $4.499999880e-01, v4;
	(pc) =	sbr.rel @p0 .LBB2_2-.Ltmp0, $4  }
0x81: {  	v3 =	vmax.f32 v3, $0.0e+00;
	v6 =	vsub.f32 $4.499999880e-01, v2;
	v7 =	vmin.f32 v7, $1.000000000e+00;
	v2 =	vld [tilespmem:s22+$0x20]  }
0x82: {  	v9 =	vmin.f32 v3, $1.000000000e+00;
	v3 =	vld [tilespmem:s22+$0xFFFFFE00];
	v7 =	vsub.f32 $4.499999880e-01, v7;
	v10 =	vmul.f32 v4, v5  }
0x83: {  	v9 =	vsub.f32 $4.499999880e-01, v9;
	v5 =	vld [tilespmem:s22+$0xFFFFFE10]  }
0x84: {  	s22 =	sadd.s32 $0x40, s22;
	v4 =	vld [tilespmem:s20+$0xFFFFFE20];
	v8 =	vadd.f32 v10, v8  }
0x85: {  	v0 =	vmul.f32 v9, v0  }
0x86: {  	v1 =	vmul.f32 v6, v1  }
0x87: {  	v2 =	vmul.f32 v7, v2;
	v0 =	vadd.f32 v0, v3  }
0x88: {  	[tilespmem:s20+$0x230] =	vst v8;
	v1 =	vadd.f32 v1, v5  }
0x89: {  	s19 =	sadd.s32 $0x1, s19;
	[tilespmem:s20+$0x200] =	vst v0;
	v63 =	vadd.f32 v2, v4  }
0x8a: {  	p0 =	sne.s32 s19, s9;
	[tilespmem:s20+$0x210] =	vst v1  }
.Ltmp1:
0x8b: {  	[tilespmem:s20+$0x220] =	vst v63;
	(pc) =	sbr.rel @p0 .LBB2_1-.Ltmp1, $4  }
0x8c: {  	[hbm4b:s8+s4] =	stream.linear.scatter [tilespmem:s17], [sflag:$0x5], $0x200, $0x38;
	[tilespmem:$0xC00] =	vst v63  }
0x8d: {  	_ =	swait.ge [sflag:s18], $0x200  }
0x8e: {  	[sflag:s18] =	ssyncset.done $0x0  }
0x8f: {  	[sflag:s18] =	ssyncadd.s32 $0xFFFFFE00  }
0x90: {  	_ =	sfence.sel $0x180000  }
0x91: {  	[bflag:$0x0] =	sbarrier.arrive $0xFFFF  }
0x92: {  	p0 =	sne.s32 s3, $0x0;
	_ =	strace $0x90000047  }
0x93: {  	s0 =	sadd.s32 @!p0 $0x100000, s0;
	[bflag:$0x2] =	sbarrier.arrive $0xFFFF  }
0x94: {  	[sflag:s0] =	ssyncadd.tile.s32 @!p0 $0x1;
	_ =	shalt  }
.Lfunc_end2:
_tile_overlayer_lowered:
.L_overlay_start_2:
0x95: {  	(tag) =	ssettag $0x2  }
0x96: {  	s0 =	rddreg [dreg:$0x0];
	s2 =	stileid.u32  }
0x97: {  	s1 =	rddreg [dreg:$0x1];
	p0 =	sne.s32 s2, $0x0  }
0x98: {  	s3 =	rddreg [dreg:$0x2];
	[bflag:$0x3] =	sbarrier.arrive $0xFFFF;
	s2 =	simm.s32 @!p0 $0x1C05  }
0x99: {  	[timem:s3], [sflag:s2] =	dma.local @!p0 [hbm:s0], s1  }
0x9a: {  	s0 =	simm.s32 @!p0 $0x5  }
0x9b: {  	_ =	swait.ge @!p0 [sflag:s0], s1  }
0x9c: {  	s1 =	ssub.s32 @!p0 $0x0, s1;
	[sflag:s0] =	ssyncset.done @!p0 $0x0  }
0x9d: {  	[sflag:s0] =	ssyncadd.s32 @!p0 s1  }
0x9e: {  	[bflag:$0x3] =	sbarrier.arrive $0xFFFF  }
0x9f: {  	_ =	shalt  }

</sc_bundles>
